<compile_context>
chip_gen: v7x
topology: tpu7x:2x2x1
jax: 0.10.2.dev20260603
libtpu: 0.0.44.dev20260713+nightly
codegen_flags: <defaults>
</compile_context>

<pallas_src>
import functools

import jax
import jax.numpy as jnp
from jax import lax
from jax.experimental import pallas as pl
from jax.experimental.pallas import tpu as pltpu
from jax.experimental.pallas import tpu_sc as plsc

_NUM_VIEWS = 6
_VOCAB = 64
_BATCH = 16384
_NC = 1
_NS = 16
_NW = _NC * _NS
_LANES = 16
_BPW = _BATCH // _NW
_GROUPS = _BPW // _LANES


def _make_sc_gather():
    mesh = plsc.VectorSubcoreMesh(core_axis_name="c", subcore_axis_name="s",
                                  num_cores=_NC)

    @functools.partial(
        pl.kernel,
        mesh=mesh,
        compiler_params=pltpu.CompilerParams(needs_layout_passes=False),
        out_type=jax.ShapeDtypeStruct((_NUM_VIEWS, _BATCH), jnp.float32),
        scratch_types=[
            pltpu.VMEM((_BPW,), jnp.int32),
            pltpu.VMEM((_VOCAB * _NUM_VIEWS,), jnp.float32),
            pltpu.VMEM((_NUM_VIEWS, _BPW), jnp.float32),
            pltpu.SemaphoreType.DMA,
            pltpu.SemaphoreType.DMA,
        ],
    )
    def gather_kernel(idx_hbm, tab_hbm, out_hbm, idx_v, tab_v, out_v,
                      sem_tab, sem_idx):
        wid = lax.axis_index("s") * _NC + lax.axis_index("c")
        base = wid * _BPW
        cp_tab = pltpu.async_copy(tab_hbm, tab_v, sem_tab)
        cp_idx = pltpu.async_copy(idx_hbm.at[pl.ds(base, _BPW)], idx_v,
                                  sem_idx)
        cp_tab.wait()
        cp_idx.wait()

        @plsc.parallel_loop(0, _GROUPS, 1, unroll=2)
        def _loop(g):
            off = g * _LANES
            ids = idx_v[pl.ds(off, _LANES)]
            src = ids * _NUM_VIEWS
            for d in range(_NUM_VIEWS):
                vals = plsc.load_gather(tab_v, [src + d])
                out_v[d, pl.ds(off, _LANES)] = vals

        pltpu.sync_copy(out_v, out_hbm.at[:, pl.ds(base, _BPW)])

    return gather_kernel


_SC_GATHER = _make_sc_gather()


def kernel(missing_pattern, tag_table):
    tags_t = _SC_GATHER(missing_pattern.astype(jnp.int32),
                        tag_table.reshape(-1))
    return tags_t.T

# --- scband reference (transcript-rebuilt; emitter-appended) ---
"""Pipeline reference for scband-adaptive-tag-encoding-22677427323616 (READ-ONLY COPY).

The authoritative reference and input builder live on the scoring server;
editing this copy changes nothing except your own understanding.
"""

import jax, jax.numpy as jnp
import numpy as np

NUM_VIEWS = 6
VOCAB = 2 ** NUM_VIEWS
BATCH = 16384

def setup_inputs(seed: int = 0) -> dict:
    key = jax.random.key(seed)
    k_idx, k_tab = jax.random.split(key)
    missing_pattern = jax.random.randint(k_idx, (BATCH,), 0, VOCAB, dtype=jnp.int64 if jax.config.jax_enable_x64 else jnp.int32)
    tag_table = jax.random.normal(k_tab, (VOCAB, NUM_VIEWS), dtype=jnp.float32)
    return {"missing_pattern": missing_pattern, "tag_table": tag_table}

def reference(missing_pattern, tag_table):
    # nn.Embedding lookup: gather rows of the table by index
    tags = jnp.take(tag_table, missing_pattern, axis=0)
    return tags

if __name__ == "__main__":
    import jax
    _d = setup_inputs()
    print(jax.jit(kernel)(*tuple(_d.values())))

</pallas_src>

<mosaic_0001>
#map = affine_map<(d0, d1) -> (0)>
#map1 = affine_map<(d0, d1) -> (0, 0)>
module attributes {stable_mosaic.version = 14 : i64} {
  func.func @gather_kernel(%arg0: i32, %arg1: i32, %arg2: memref<16384xi32, #tpu.memory_space<hbm>>, %arg3: memref<384xf32, #tpu.memory_space<hbm>>, %arg4: memref<6x16384xf32, #tpu.memory_space<hbm>>, %arg5: memref<1024xi32, #tpu.memory_space<vmem>>, %arg6: memref<384xf32, #tpu.memory_space<vmem>>, %arg7: memref<6x1024xf32, #tpu.memory_space<vmem>>, %arg8: memref<!tpu.dma_semaphore, #tpu.memory_space<semaphore_mem>>, %arg9: memref<!tpu.dma_semaphore, #tpu.memory_space<semaphore_mem>>) attributes {dimension_semantics = [#tpu.dimension_semantics<core_parallel>, #tpu.dimension_semantics<subcore_parallel>], iteration_bounds = array<i64: 1, 16>, scalar_prefetch = 0 : i64, scratch_operands = 5 : i64, tpu.core_type = #tpu.core_type<sc_vector_subcore>, window_params = [{transform_indices = #map}, {transform_indices = #map}, {transform_indices = #map1}]} {
    %mul3A = arith.constant 1 : i32
    %mul3A_0 = arith.muli %arg1, %mul3A : i32
    %add3A = arith.addi %mul3A_0, %arg0 : i32
    %mul3A_1 = arith.constant 1024 : i32
    %mul3A_2 = arith.muli %add3A, %mul3A_1 : i32
    tpu.enqueue_dma source(%arg3 : memref<384xf32, #tpu.memory_space<hbm>>) target(%arg6 : memref<384xf32, #tpu.memory_space<vmem>>) target_semaphore(%arg8 : memref<!tpu.dma_semaphore, #tpu.memory_space<semaphore_mem>>)
    %dma_start3A = tpu.memref_slice %arg2[%mul3A_2] : memref<16384xi32, #tpu.memory_space<hbm>> -> memref<1024xi32, #tpu.memory_space<hbm>>
    %dma_start3A_3 = tpu.memref_slice %arg2[%mul3A_2] : memref<16384xi32, #tpu.memory_space<hbm>> -> memref<1024xi32, #tpu.memory_space<hbm>>
    tpu.enqueue_dma source(%dma_start3A_3 : memref<1024xi32, #tpu.memory_space<hbm>>) target(%arg5 : memref<1024xi32, #tpu.memory_space<vmem>>) target_semaphore(%arg9 : memref<!tpu.dma_semaphore, #tpu.memory_space<semaphore_mem>>)
    tpu.wait_dma2 semaphore(%arg8 : memref<!tpu.dma_semaphore, #tpu.memory_space<semaphore_mem>>) src(%arg3 : memref<384xf32, #tpu.memory_space<hbm>>) dst(%arg6 : memref<384xf32, #tpu.memory_space<vmem>>)
    %dma_wait3A = tpu.memref_slice %arg2[%mul3A_2] : memref<16384xi32, #tpu.memory_space<hbm>> -> memref<1024xi32, #tpu.memory_space<hbm>>
    %dma_wait3A_4 = tpu.memref_slice %arg2[%mul3A_2] : memref<16384xi32, #tpu.memory_space<hbm>> -> memref<1024xi32, #tpu.memory_space<hbm>>
    tpu.wait_dma2 semaphore(%arg9 : memref<!tpu.dma_semaphore, #tpu.memory_space<semaphore_mem>>) src(%dma_wait3A_4 : memref<1024xi32, #tpu.memory_space<hbm>>) dst(%arg5 : memref<1024xi32, #tpu.memory_space<vmem>>)
    %parallel_loop3A = arith.constant 0 : i32
    %parallel_loop3A_5 = arith.constant 64 : i32
    %parallel_loop3A_6 = arith.constant 1 : i32
    scf.for %parallel_loop3A_7 = %parallel_loop3A to %parallel_loop3A_5 step %parallel_loop3A_6  : i32 {
      %parallel_loop3A_8 = arith.constant 16 : i32
      %parallel_loop3A_9 = arith.muli %parallel_loop3A_7, %parallel_loop3A_8 : i32
      %parallel_loop3A_10 = arith.index_cast %parallel_loop3A_9 : i32 to index
      %parallel_loop3A_11 = tpu.vector_load %arg5[%parallel_loop3A_10] {strides = array<i32>} : memref<1024xi32, #tpu.memory_space<vmem>>, vector<16xi32>,
      %parallel_loop3A_12 = arith.constant 6 : i32
      %parallel_loop3A_13 = vector.broadcast %parallel_loop3A_12 : i32 to vector<16xi32>
      %parallel_loop3A_14 = arith.muli %parallel_loop3A_11, %parallel_loop3A_13 : vector<16xi32>
      %parallel_loop3A_15 = arith.constant 0 : i32
      %parallel_loop3A_16 = vector.broadcast %parallel_loop3A_15 : i32 to vector<16xi32>
      %parallel_loop3A_17 = arith.addi %parallel_loop3A_14, %parallel_loop3A_16 : vector<16xi32>
      %parallel_loop3A_18 = tpu.vector_load_idx %arg6[%parallel_loop3A_17] : memref<384xf32, #tpu.memory_space<vmem>>[vector<16xi32>], vector<16xf32>,
      %parallel_loop3A_19 = arith.constant 0 : i32
      %parallel_loop3A_20 = arith.index_cast %parallel_loop3A_19 : i32 to index
      %parallel_loop3A_21 = arith.index_cast %parallel_loop3A_9 : i32 to index
      %parallel_loop3A_22 = tpu.vector_load %arg7[%parallel_loop3A_20, %parallel_loop3A_21] {strides = array<i32>} : memref<6x1024xf32, #tpu.memory_space<vmem>>, vector<16xf32>,
      tpu.vector_store %arg7[%parallel_loop3A_20, %parallel_loop3A_21], %parallel_loop3A_18 {strides = array<i32>} : memref<6x1024xf32, #tpu.memory_space<vmem>>, vector<16xf32>,
      %parallel_loop3A_23 = arith.constant 1 : i32
      %parallel_loop3A_24 = vector.broadcast %parallel_loop3A_23 : i32 to vector<16xi32>
      %parallel_loop3A_25 = arith.addi %parallel_loop3A_14, %parallel_loop3A_24 : vector<16xi32>
      %parallel_loop3A_26 = tpu.vector_load_idx %arg6[%parallel_loop3A_25] : memref<384xf32, #tpu.memory_space<vmem>>[vector<16xi32>], vector<16xf32>,
      %parallel_loop3A_27 = arith.constant 1 : i32
      %parallel_loop3A_28 = arith.index_cast %parallel_loop3A_27 : i32 to index
      %parallel_loop3A_29 = arith.index_cast %parallel_loop3A_9 : i32 to index
      %parallel_loop3A_30 = tpu.vector_load %arg7[%parallel_loop3A_28, %parallel_loop3A_29] {strides = array<i32>} : memref<6x1024xf32, #tpu.memory_space<vmem>>, vector<16xf32>,
      tpu.vector_store %arg7[%parallel_loop3A_28, %parallel_loop3A_29], %parallel_loop3A_26 {strides = array<i32>} : memref<6x1024xf32, #tpu.memory_space<vmem>>, vector<16xf32>,
      %parallel_loop3A_31 = arith.constant 2 : i32
      %parallel_loop3A_32 = vector.broadcast %parallel_loop3A_31 : i32 to vector<16xi32>
      %parallel_loop3A_33 = arith.addi %parallel_loop3A_14, %parallel_loop3A_32 : vector<16xi32>
      %parallel_loop3A_34 = tpu.vector_load_idx %arg6[%parallel_loop3A_33] : memref<384xf32, #tpu.memory_space<vmem>>[vector<16xi32>], vector<16xf32>,
      %parallel_loop3A_35 = arith.constant 2 : i32
      %parallel_loop3A_36 = arith.index_cast %parallel_loop3A_35 : i32 to index
      %parallel_loop3A_37 = arith.index_cast %parallel_loop3A_9 : i32 to index
      %parallel_loop3A_38 = tpu.vector_load %arg7[%parallel_loop3A_36, %parallel_loop3A_37] {strides = array<i32>} : memref<6x1024xf32, #tpu.memory_space<vmem>>, vector<16xf32>,
      tpu.vector_store %arg7[%parallel_loop3A_36, %parallel_loop3A_37], %parallel_loop3A_34 {strides = array<i32>} : memref<6x1024xf32, #tpu.memory_space<vmem>>, vector<16xf32>,
      %parallel_loop3A_39 = arith.constant 3 : i32
      %parallel_loop3A_40 = vector.broadcast %parallel_loop3A_39 : i32 to vector<16xi32>
      %parallel_loop3A_41 = arith.addi %parallel_loop3A_14, %parallel_loop3A_40 : vector<16xi32>
      %parallel_loop3A_42 = tpu.vector_load_idx %arg6[%parallel_loop3A_41] : memref<384xf32, #tpu.memory_space<vmem>>[vector<16xi32>], vector<16xf32>,
      %parallel_loop3A_43 = arith.constant 3 : i32
      %parallel_loop3A_44 = arith.index_cast %parallel_loop3A_43 : i32 to index
      %parallel_loop3A_45 = arith.index_cast %parallel_loop3A_9 : i32 to index
      %parallel_loop3A_46 = tpu.vector_load %arg7[%parallel_loop3A_44, %parallel_loop3A_45] {strides = array<i32>} : memref<6x1024xf32, #tpu.memory_space<vmem>>, vector<16xf32>,
      tpu.vector_store %arg7[%parallel_loop3A_44, %parallel_loop3A_45], %parallel_loop3A_42 {strides = array<i32>} : memref<6x1024xf32, #tpu.memory_space<vmem>>, vector<16xf32>,
      %parallel_loop3A_47 = arith.constant 4 : i32
      %parallel_loop3A_48 = vector.broadcast %parallel_loop3A_47 : i32 to vector<16xi32>
      %parallel_loop3A_49 = arith.addi %parallel_loop3A_14, %parallel_loop3A_48 : vector<16xi32>
      %parallel_loop3A_50 = tpu.vector_load_idx %arg6[%parallel_loop3A_49] : memref<384xf32, #tpu.memory_space<vmem>>[vector<16xi32>], vector<16xf32>,
      %parallel_loop3A_51 = arith.constant 4 : i32
      %parallel_loop3A_52 = arith.index_cast %parallel_loop3A_51 : i32 to index
      %parallel_loop3A_53 = arith.index_cast %parallel_loop3A_9 : i32 to index
      %parallel_loop3A_54 = tpu.vector_load %arg7[%parallel_loop3A_52, %parallel_loop3A_53] {strides = array<i32>} : memref<6x1024xf32, #tpu.memory_space<vmem>>, vector<16xf32>,
      tpu.vector_store %arg7[%parallel_loop3A_52, %parallel_loop3A_53], %parallel_loop3A_50 {strides = array<i32>} : memref<6x1024xf32, #tpu.memory_space<vmem>>, vector<16xf32>,
      %parallel_loop3A_55 = arith.constant 5 : i32
      %parallel_loop3A_56 = vector.broadcast %parallel_loop3A_55 : i32 to vector<16xi32>
      %parallel_loop3A_57 = arith.addi %parallel_loop3A_14, %parallel_loop3A_56 : vector<16xi32>
      %parallel_loop3A_58 = tpu.vector_load_idx %arg6[%parallel_loop3A_57] : memref<384xf32, #tpu.memory_space<vmem>>[vector<16xi32>], vector<16xf32>,
      %parallel_loop3A_59 = arith.constant 5 : i32
      %parallel_loop3A_60 = arith.index_cast %parallel_loop3A_59 : i32 to index
      %parallel_loop3A_61 = arith.index_cast %parallel_loop3A_9 : i32 to index
      %parallel_loop3A_62 = tpu.vector_load %arg7[%parallel_loop3A_60, %parallel_loop3A_61] {strides = array<i32>} : memref<6x1024xf32, #tpu.memory_space<vmem>>, vector<16xf32>,
      tpu.vector_store %arg7[%parallel_loop3A_60, %parallel_loop3A_61], %parallel_loop3A_58 {strides = array<i32>} : memref<6x1024xf32, #tpu.memory_space<vmem>>, vector<16xf32>,
    } {sc.loop_unroll_factor = 2 : i64, sc.parallel_access}
    "tpu.region"() ({
      %run_scoped3A = tpu.sem_alloc : memref<!tpu.dma_semaphore, #tpu.memory_space<semaphore_mem>>
      %dma_start3A_7 = arith.constant 0 : i32
      %dma_start3A_8 = tpu.memref_slice %arg4[%dma_start3A_7, %mul3A_2] : memref<6x16384xf32, #tpu.memory_space<hbm>> -> memref<6x1024xf32, #tpu.memory_space<hbm>>
      %dma_start3A_9 = arith.constant 0 : i32
      %dma_start3A_10 = tpu.memref_slice %arg4[%dma_start3A_9, %mul3A_2] : memref<6x16384xf32, #tpu.memory_space<hbm>> -> memref<6x1024xf32, #tpu.memory_space<hbm>>
      tpu.enqueue_dma source(%arg7 : memref<6x1024xf32, #tpu.memory_space<vmem>>) target(%dma_start3A_10 : memref<6x1024xf32, #tpu.memory_space<hbm>>) target_semaphore(%run_scoped3A : memref<!tpu.dma_semaphore, #tpu.memory_space<semaphore_mem>>)
      %dma_wait3A_11 = arith.constant 0 : i32
      %dma_wait3A_12 = tpu.memref_slice %arg4[%dma_wait3A_11, %mul3A_2] : memref<6x16384xf32, #tpu.memory_space<hbm>> -> memref<6x1024xf32, #tpu.memory_space<hbm>>
      %dma_wait3A_13 = arith.constant 0 : i32
      %dma_wait3A_14 = tpu.memref_slice %arg4[%dma_wait3A_13, %mul3A_2] : memref<6x16384xf32, #tpu.memory_space<hbm>> -> memref<6x1024xf32, #tpu.memory_space<hbm>>
      tpu.wait_dma2 semaphore(%run_scoped3A : memref<!tpu.dma_semaphore, #tpu.memory_space<semaphore_mem>>) src(%arg7 : memref<6x1024xf32, #tpu.memory_space<vmem>>) dst(%dma_wait3A_14 : memref<6x1024xf32, #tpu.memory_space<hbm>>)
      tpu.yield
    }) : () -> ()
    return
  }
}

</mosaic_0001>

<sc_bundles>
// kernel: kernel.3.cloned.1.call-start
scs
__scs_entry_jumppad:
0x0: {  	(pc) =	sbr.rel $0x88, $3  }
0x1: {  	(tag) =	ssettag $0x0;
	lr =	simm.s32 $0x1  }
0x2: {  	[smem:$0x3F9F] =	sst lr;
	_ =	strace $0xD0000000  }
0x3: {  	_ = 	snop  }
0x4: {  	_ = 	snop  }
0x5: {  	_ = 	snop  }
0x6: {  	_ = 	snop  }
0x7: {  	_ = 	snop  }
__scs_overlays_trampoline_lowered:
0x8: {  	[smem:$0x3FAE] =	sst s0  }
0x9: {  	[smem:$0x3FAF] =	sst s1  }
0xa: {  	[smem:$0x3FB0] =	sst s2  }
0xb: {  	[smem:$0x3FB1] =	sst s3  }
0xc: {  	[smem:$0x3FB2] =	sst s4  }
0xd: {  	[smem:$0x3FB3] =	sst s5  }
0xe: {  	[smem:$0x3FB4] =	sst s6  }
0xf: {  	[smem:$0x3FB5] =	sst s7  }
0x10: {  	[smem:$0x3FB6] =	sst s8  }
0x11: {  	[smem:$0x3FB7] =	sst s9;
	s0 =	simm.s32 @!p0 $0x0  }
0x12: {  	s1 =	sld [smem:$0x3F9D];
	s0 =	simm.s32 @p0 $0x1  }
0x13: {  	[smem:$0x3FB8] =	sst s0;
	s0 =	simm.s32 @!p1 $0x0  }
0x14: {  	s2 =	sld [smem:$0x3F9C];
	s0 =	simm.s32 @p1 $0x1  }
0x15: {  	[smem:$0x3FB9] =	sst s0;
	s0 =	simm.s32 @!p2 $0x0  }
0x16: {  	s3 =	sld [smem:$0x3FDB];
	s0 =	simm.s32 @p2 $0x1  }
0x17: {  	s4 =	simm.s32 $0x1BF5;
	[smem:$0x3FBB] =	sst s0  }
0x18: {  	s0 =	sld [smem:$0x3F9E];
	_ =	swait.ge [sflag:s4], $0x0  }
0x19: {  	s7 =	sld [smem:$0x3F9F]  }
0x1a: {  	s8 =	sadd.s32 $0xFFFFE003, lr  }
0x1b: {  	s9 =	sadd.s32 $0xFFFFFEF7, lr;
	s5 =	simm.s32 $0xFFFFFFFF;
	p2 =	slt.u32 s8, $0xFFFFF086  }
0x1c: {  	p1 =	slt.u32 s9, $0xF7A;
	s5 =	simm.s32 @!p2 $0x0  }
0x1d: {  	s5 =	simm.s32 @p1 $0x1;
	p0 =	seq.s32 s7, s2  }
0x1e: {  	s7 =	smul.u32 @!p0 $0xF7A, s2;
	p2 =	seq.s32 @!p0 s5, $0x0  }
0x1f: {  	s9 =	smul.u32 $0xF7A, s1;
	s8 =	simm.s32 @!p0 $0x1BF5;
	p2 =	por !p2, p0  }
0x20: {  	[sflag:s8] =	ssyncset.s32 @!p0 $0xFFFFF086;
	s6 =	sadd.s32 @!p0 s3, s7;
	s7 =	simm.s32 @!p0 $0x108  }
0x21: {  	s3 =	sadd.s32 s3, s9;
	s6 =	sadd.s32 @!p0 $0x88, s6;
	s7 =	simm.s32 @p2 $0x1082  }
0x22: {  	[simem:s7], [sflag:s8] =	dma.local @!p0 [hbm:s6], $0xF7A  }
0x23: {  	s9 =	sor.u32 $0xD0000000, s2;
	s6 =	simm.s32 $0x108;
	_ =	swait.ge @!p0 [sflag:s8], $0x0  }
0x24: {  	s3 =	sadd.s32 $0x88, s3;
	s6 =	simm.s32 @!p1 $0x1082;
	[sflag:s4] =	ssyncset.s32 $0xFFFFF086  }
0x25: {  	[simem:s6], [sflag:s4] =	dma.local [hbm:s3], $0xF7A  }
0x26: {  	[smem:$0x3F9F] =	sst s1;
	(tag) =	ssettag s2;
	_ =	strace s9  }
0x27: {  	s1 =	sld [smem:$0x3FAF]  }
0x28: {  	s2 =	sld [smem:$0x3FB0]  }
0x29: {  	s4 =	sld [smem:$0x3FB2]  }
0x2a: {  	p0 =	seq.s32 s5, $0x0;
	s5 =	sld [smem:$0x3FB3]  }
0x2b: {  	s6 =	sld [smem:$0x3FB4]  }
0x2c: {  	s7 =	sld [smem:$0x3FB5]  }
0x2d: {  	s3 =	simm.s32 $0x108;
	s8 =	sld [smem:$0x3FB6]  }
0x2e: {  	s3 =	simm.s32 @!p0 $0x1082;
	s9 =	sld [smem:$0x3FB7]  }
0x2f: {  	lr =	sadd.s32 s0, s3;
	s0 =	sld [smem:$0x3FAE]  }
0x30: {  	s3 =	sld [smem:$0x3FB1]  }
0x31: {  	[smem:$0x3FBA] =	sst s10  }
0x32: {  	s10 =	sld [smem:$0x3FB8];
	_ =	sdelay $0x3  }
0x33: {  	p0 =	seq.s32 s10, $0x1;
	s10 =	sld [smem:$0x3FBA];
	_ =	sdelay $0x3  }
0x34: {  	[smem:$0x3FBA] =	sst s10  }
0x35: {  	s10 =	sld [smem:$0x3FB9];
	_ =	sdelay $0x3  }
0x36: {  	p1 =	seq.s32 s10, $0x1;
	s10 =	sld [smem:$0x3FBA];
	_ =	sdelay $0x3  }
0x37: {  	[smem:$0x3FBA] =	sst s10  }
0x38: {  	s10 =	sld [smem:$0x3FBB]  }
0x39: {  	_ = 	snop;
	(pc) =	sbr.ind lr, $3  }
0x3a: {  	_ = 	snop  }
0x3b: {  	_ = 	snop  }
0x3c: {  	p2 =	seq.s32 s10, $0x1;
	s10 =	sld [smem:$0x3FBA]  }
0x3d: {  	_ =	shalt  }
0x3e: {  	_ =	shalt  }
0x3f: {  	_ =	shalt  }
0x40: {  	_ =	shalt  }
0x41: {  	_ =	shalt  }
0x42: {  	_ =	shalt  }
0x43: {  	_ =	shalt  }
0x44: {  	_ =	shalt  }
0x45: {  	_ =	shalt  }
0x46: {  	_ =	shalt  }
0x47: {  	_ =	shalt  }
0x48: {  	_ =	shalt  }
0x49: {  	_ =	shalt  }
0x4a: {  	_ =	shalt  }
0x4b: {  	_ =	shalt  }
0x4c: {  	_ =	shalt  }
0x4d: {  	_ =	shalt  }
0x4e: {  	_ =	shalt  }
0x4f: {  	_ =	shalt  }
0x50: {  	_ =	shalt  }
0x51: {  	_ =	shalt  }
0x52: {  	_ =	shalt  }
0x53: {  	_ =	shalt  }
0x54: {  	_ =	shalt  }
0x55: {  	_ =	shalt  }
0x56: {  	_ =	shalt  }
0x57: {  	_ =	shalt  }
0x58: {  	_ =	shalt  }
0x59: {  	_ =	shalt  }
0x5a: {  	_ =	shalt  }
0x5b: {  	_ =	shalt  }
0x5c: {  	_ =	shalt  }
0x5d: {  	_ =	shalt  }
0x5e: {  	_ =	shalt  }
0x5f: {  	_ =	shalt  }
0x60: {  	_ =	shalt  }
0x61: {  	_ =	shalt  }
0x62: {  	_ =	shalt  }
0x63: {  	_ =	shalt  }
0x64: {  	_ =	shalt  }
0x65: {  	_ =	shalt  }
0x66: {  	_ =	shalt  }
0x67: {  	_ =	shalt  }
0x68: {  	_ =	shalt  }
0x69: {  	_ =	shalt  }
0x6a: {  	_ =	shalt  }
0x6b: {  	_ =	shalt  }
0x6c: {  	_ =	shalt  }
0x6d: {  	_ =	shalt  }
0x6e: {  	_ =	shalt  }
0x6f: {  	_ =	shalt  }
0x70: {  	_ =	shalt  }
0x71: {  	_ =	shalt  }
0x72: {  	_ =	shalt  }
0x73: {  	_ =	shalt  }
0x74: {  	_ =	shalt  }
0x75: {  	_ =	shalt  }
0x76: {  	_ =	shalt  }
0x77: {  	_ =	shalt  }
0x78: {  	_ =	shalt  }
0x79: {  	_ =	shalt  }
0x7a: {  	_ =	shalt  }
0x7b: {  	_ =	shalt  }
0x7c: {  	_ =	shalt  }
0x7d: {  	_ =	shalt  }
0x7e: {  	_ =	shalt  }
0x7f: {  	_ =	shalt  }
0x80: {  	_ =	shalt  }
0x81: {  	_ =	shalt  }
0x82: {  	_ =	shalt  }
0x83: {  	_ =	shalt  }
0x84: {  	_ =	shalt  }
0x85: {  	_ =	shalt  }
0x86: {  	_ =	shalt  }
0x87: {  	_ =	shalt  }
.Lfunc_end0:
.L_simem_size_0:
called_computation_lowered:
.L_overlay_start_0:
0x88: {  	s0 =	sld [smem:$0x3FD9]  }
0x89: {  	s1 =	sld [smem:$0x3FFE];
	_ =	sdelay $0x3  }
0x8a: {  	s0 =	sadd.s32 s1, s0  }
0x8b: {  	[smem:$0x3FC6] =	sst s0  }
0x8c: {  	_ = 	snop  }
0x8d: {  	s0 =	sld [smem:$0x3FC9]  }
0x8e: {  	s16 =	sld [smem:$0x3FD0];
	(tm) =	ssettm $0x1  }
0x8f: {  	s2 =	sld [smem:$0x3FFB];
	_ =	sdelay $0x3  }
0x90: {  	_ =	strace s2  }
0x91: {  	s2 =	sld [smem:$0x3FFC];
	_ =	sdelay $0x3  }
0x92: {  	_ =	strace s2  }
0x93: {  	s2 =	sld [smem:$0x3FFD];
	_ =	sdelay $0x3  }
0x94: {  	_ =	strace s2  }
0x95: {  	_ =	strace $0x8FFFFFFF  }
0x96: {  	s17 =	sld [smem:$0x3FDB];
	_ =	sdelay $0x1  }
0x97: {  	s3 =	simm.s32 $_scs_section_size  }
0x98: {  	s4 =	simm.s32 $_size__tile_overlayer_lowered;
	s5 =	simm.s32 $_tile_overlayer_lowered  }
0x99: {  	s20 =	simm.s32 $0x1BFF;
	s19 =	sshll.u32 s5, $0x1;
	s2 =	sadd.s32 s3, s17  }
0x9a: {  	s6 =	simm.s32 $0x0;
	s18 =	sshll.u32 s4, $0x1;
	s4 =	sadd.s32 s19, s2  }
0x9b: {  	[timem:s6], [sflag:s20] =	dma.local [hbm:s4], s18  }
0x9c: {  	_ =	swait.ge [sflag:s20], s18  }
0x9d: {  	s3 =	ssub.s32 $0x0, s18;
	[sflag:s20] =	ssyncset.done $0x0  }
0x9e: {  	[sflag:s20] =	ssyncadd.s32 s3;
	_ =	sdelay $0x1  }
0x9f: {  	s21 =	simm.s32 $0x1B8B  }
0xa0: {  	_ =	swait.ge [sflag:s21], $0x1  }
0xa1: {  	[sflag:s21] =	ssyncset.done $0x0  }
0xa2: {  	s23 =	simm.s32 $0x1B8E;
	s22 =	sld [smem:$0x3FFE];
	[sflag:s21] =	ssyncadd.s32 $0xFFFFFFFF  }
0xa3: {  	s24 =	simm.s32 $execute0_lowered;
	[smem:$0x3FD2] =	sst s23  }
0xa4: {  	s4 =	sshll.u32 s24, $0x1;
	_ =	strace $0x80000046;
	[dreg:$0x1] =	wrdreg $0xFFFFFFFF  }
0xa5: {  	s25 =	simm.s32 $_size_execute0_lowered;
	s2 =	sadd.s32 s2, s4;
	[dreg:$0x0] =	wrdreg $0x0  }
0xa6: {  	s4 =	sshll.u32 s25, $0x1;
	[dreg:$0x2] =	wrdreg s2  }
0xa7: {  	[dreg:$0x3] =	wrdreg s4  }
0xa8: {  	[dreg:$0x4] =	wrdreg $0xC0  }
0xa9: {  	_ =	task [dreg:s6], $0x5FFFF  }
0xaa: {  	[dreg:$0x1] =	wrdreg $0xFFFFFFFF  }
0xab: {  	[dreg:$0x0] =	wrdreg $0x60  }
0xac: {  	[dreg:$0x2] =	wrdreg s0  }
0xad: {  	[dreg:$0x3] =	wrdreg s22  }
0xae: {  	[dreg:$0x4] =	wrdreg s16  }
0xaf: {  	[dreg:$0x5] =	wrdreg $0x9  }
0xb0: {  	_ =	task.clear_ibuf [dreg:s6], $0x6FFFF;
	_ =	strace $0x90000046  }
0xb1: {  	s26 =	simm.s32 $0x9;
	_ =	strace $0x80000048  }
0xb2: {  	_ =	swait.ge [sflag:s26], $0x1  }
0xb3: {  	[sflag:s26] =	ssyncadd.s32 $0xFFFFFFFF  }
0xb4: {  	_ =	strace $0x90000048  }
0xb5: {  	_ =	sfence  }
0xb6: {  	s28 =	sld [smem:$0x0];
	_ =	sdelay $0x1  }
0xb7: {  	s29 =	srdreg.scid  }
0xb8: {  	s30 =	sshll.u32 s29, $0xD;
	s31 =	sshrl.u32 s29, $0x2  }
0xb9: {  	s1 =	sand.u32 $0x1, s29;
	s2 =	sand.u32 $0x4000, s30;
	s0 =	sadd.s32 s31, s28  }
0xba: {  	s1 =	sor.u32 s2, s1;
	s0 =	sshll.u32 s0, $0x11  }
0xbb: {  	s0 =	sor.u32 s0, s1  }
0xbc: {  	s0 =	sadd.s32 $0x8F2B, s0  }
0xbd: {  	[sflag:s0] =	ssyncadd.remote.s32 $0x1  }
0xbe: {  	_ =	sfence.sel $0xFFFF  }
0xbf: {  	[dreg:$0x0] =	wrdreg $0xFFFFFFFF;
	(pc) =	sbr.abs _section_cstart, $3  }
0xc0: {  	[dreg:$0x1] =	wrdreg $0xFFFFFFFF  }
0xc1: {  	_ =	task.clear_ibuf [dreg:s6], $0x2FFFF;
	_ =	strace $0x9FFFFFFF  }
0xc2: {  	(tm) =	ssettm $0x7FFFFFFF  }
0xc3: {  	_ =	shalt  }
tec
execute0_lowered:
.L_overlay_start_1:
0x0: {  	(tag) =	ssettag $0x1  }
0x1: {  	s4 =	rddreg [dreg:$0x0]  }
0x2: {  	s3 =	rddreg [dreg:$0x1]  }
0x3: {  	s2 =	rddreg [dreg:$0x2]  }
0x4: {  	s0 =	rddreg [dreg:$0x3];
	s5 =	simm.s32 $0x0  }
0x5: {  	s1 =	stileid.u32;
	[smem:$0x7FF] =	sst s5;
	s6 =	sadd.s32 $0x400, s3  }
0x6: {  	s7 =	sshll.u32 s1, $0x7;
	s3 =	simm.s32 $0x400;
	_ =	strace $0x80000047  }
0x7: {  	[tilespmem:s3], [sflag:$0x1] =	stream.linear.gather [hbm4b:s6+s5], $0x180, $0x38;
	[tilespmem:$0x2580] =	vst v63  }
0x8: {  	s18 =	simm.s32 $0x1;
	s4 =	sadd.s32 s4, s7  }
0x9: {  	[tilespmem:s5], [sflag:$0x2] =	stream.linear.gather [hbm4b:s4+s5], $0x400, $0x38;
	[tilespmem:$0x2580] =	vst v63  }
0xa: {  	_ =	swait.ge [sflag:s18], $0x180  }
0xb: {  	[sflag:s18] =	ssyncset.done $0x0  }
0xc: {  	s19 =	simm.s32 $0x2;
	[sflag:s18] =	ssyncadd.s32 $0xFFFFFE80  }
0xd: {  	s20 =	sand.u32 $0x60, s5;
	_ =	swait.ge [sflag:s19], $0x400  }
0xe: {  	s8 =	sand.u32 $0x380, s5;
	s21 =	sor.u32 $0x10, s20;
	[sflag:s19] =	ssyncset.done $0x0  }
0xf: {  	s22 =	sor.u32 s21, s8;
	[sflag:s19] =	ssyncadd.s32 $0xFFFFFC00  }
0x10: {  	v0 =	vld [tilespmem:s22+$0x0];
	_ =	sdelay $0x2  }
0x11: {  	v1 =	vld [tilespmem:s5+$0x0]  }
0x12: {  	s23 =	simm.s32 $0x20  }
0x13: {  	s24 =	sand.u32 $0x60, s23;
	v7 =	vmul.u32 $0x6, v0  }
0x14: {  	s9 =	sand.u32 $0x380, s23;
	s10 =	sor.u32 $0x10, s24  }
0x15: {  	s9 =	sor.u32 s10, s9  }
0x16: {  	v2 =	vmul.u32 $0x6, v1;
	v0 =	vld [tilespmem:s9+$0x0];
	_ =	sdelay $0x2  }
0x17: {  	v1 =	vld.idx.msk [tilespmem:v7+s3+$0x0], $0xffff  }
0x18: {  	v3 =	vld [tilespmem:s23+$0x0];
	v4 =	vor.u32 $0x1, v7  }
0x19: {  	s25 =	sand.u32 $0x1C00, s5;
	v0 =	vmul.u32 $0x6, v0  }
0x1a: {  	s4 =	sadd.s32 $0x580, s25;
	v5 =	vld.idx.msk [tilespmem:v2+s3+$0x0], $0xffff  }
0x1b: {  	s7 =	sor.u32 s21, s4;
	v6 =	vor.u32 $0x1, v2  }
0x1c: {  	[tilespmem:s7+$0x0] =	vst v1  }
0x1d: {  	v1 =	vmul.u32 $0x6, v3;
	v4 =	vld.idx.msk [tilespmem:v4+s3+$0x0], $0xffff  }
0x1e: {  	s26 =	simm.s32 $0x40;
	s4 =	sor.u32 s20, s4  }
0x1f: {  	s16 =	sand.u32 $0x60, s26;
	[tilespmem:s4+$0x0] =	vst v5;
	v3 =	vadd.s32 $0x2, v7;
	v9 =	vld.idx.msk [tilespmem:v0+s3+$0x0], $0xffff  }
0x20: {  	s17 =	sor.u32 $0x10, s16;
	s5 =	sand.u32 $0x380, s26;
	v5 =	vld.idx.msk [tilespmem:v6+s3+$0x0], $0xffff  }
0x21: {  	s5 =	sor.u32 s17, s5;
	v8 =	vadd.s32 $0x2, v2;
	v6 =	vld [tilespmem:s26+$0x0]  }
0x22: {  	[tilespmem:s7+$0x80] =	vst v4;
	v4 =	vld [tilespmem:s5+$0x0]  }
0x23: {  	s28 =	simm.s32 $0x100;
	s9 =	simm.s32 $0x60;
	v11 =	vor.u32 $0x1, v0;
	v12 =	vld.idx.msk [tilespmem:v1+s3+$0x0], $0xffff  }
0x24: {  	s13 =	sand.u32 $0x60, s9;
	v13 =	vor.u32 $0x1, v1;
	s5 =	sand.u32 $0x1C00, s28;
	v10 =	vld.idx.msk [tilespmem:v3+s3+$0x0], $0xffff  }
0x25: {  	s29 =	sand.u32 $0x380, s9;
	s15 =	sor.u32 $0x10, s13;
	[tilespmem:s4+$0x80] =	vst v5;
	v5 =	vadd.s32 $0x3, v7;
	s5 =	sadd.s32 $0x580, s5  }
0x26: {  	s8 =	sor.u32 s15, s29;
	v8 =	vld.idx.msk [tilespmem:v8+s3+$0x0], $0xffff;
	s6 =	sor.u32 s10, s5  }
0x27: {  	v14 =	vadd.s32 $0x3, v2;
	v15 =	vld [tilespmem:s8+$0x0];
	v3 =	vmul.u32 $0x6, v6;
	s5 =	sor.u32 s24, s5;
	[tilespmem:s6+$0x0] =	vst v9  }
0x28: {  	v9 =	vld.idx.msk [tilespmem:v11+s3+$0x0], $0xffff;
	v4 =	vmul.u32 $0x6, v4;
	[tilespmem:s5+$0x0] =	vst v12  }
0x29: {  	[tilespmem:s7+$0x100] =	vst v10;
	v13 =	vld.idx.msk [tilespmem:v13+s3+$0x0], $0xffff  }
0x2a: {  	v12 =	vadd.s32 $0x2, v0;
	v10 =	vld.idx.msk [tilespmem:v5+s3+$0x0], $0xffff  }
0x2b: {  	v6 =	vld [tilespmem:s9+$0x0];
	[tilespmem:s4+$0x100] =	vst v8;
	v8 =	vadd.s32 $0x4, v7  }
0x2c: {  	v16 =	vadd.s32 $0x2, v1;
	v14 =	vld.idx.msk [tilespmem:v14+s3+$0x0], $0xffff  }
0x2d: {  	v17 =	vadd.s32 $0x4, v2;
	v5 =	vld.idx.msk [tilespmem:v3+s3+$0x0], $0xffff;
	[tilespmem:s6+$0x80] =	vst v9  }
0x2e: {  	v11 =	vld.idx.msk [tilespmem:v4+s3+$0x0], $0xffff;
	[tilespmem:s5+$0x80] =	vst v13  }
0x2f: {  	s11 =	simm.s32 $0x200;
	v12 =	vld.idx.msk [tilespmem:v12+s3+$0x0], $0xffff;
	v13 =	vor.u32 $0x1, v4;
	[tilespmem:s7+$0x180] =	vst v10  }
0x30: {  	s30 =	sand.u32 $0x1C00, s11;
	v9 =	vadd.s32 $0x3, v0;
	v10 =	vld.idx.msk [tilespmem:v8+s3+$0x0], $0xffff  }
0x31: {  	s12 =	simm.s32 $0x6;
	s31 =	sadd.s32 $0x580, s30;
	v7 =	vadd.s32 $0x5, v7;
	[tilespmem:s4+$0x180] =	vst v14;
	v8 =	vld.idx.msk [tilespmem:v16+s3+$0x0], $0xffff  }
0x32: {  	s14 =	simm.s32 $0x80;
	s8 =	sor.u32 s16, s31;
	s10 =	sor.u32 s17, s31;
	v16 =	vor.u32 $0x1, v3;
	v14 =	vld.idx.msk [tilespmem:v17+s3+$0x0], $0xffff  }
.LBB2_1:
0x33: {  	v17 =	vld [tilespmem:s14+$0x0];
	[tilespmem:s10+$0x0] =	vst v11;
	v11 =	vadd.s32 $0x3, v1;
	s17 =	smov.u32 s13;
	s16 =	smov.u32 s15;
	s18 =	smov.u32 s6  }
0x34: {  	s6 =	smov.u32 s10;
	v13 =	vld.idx.msk [tilespmem:v13+s3+$0x0], $0xffff;
	[tilespmem:s18+$0x100] =	vst v12;
	v12 =	vadd.s32 $0x5, v2;
	v2 =	vmovc v1;
	v1 =	vmov v3;
	v3 =	vmul.u32 $0x6, v6  }
0x35: {  	v18 =	vmul.u32 $0x6, v15;
	v9 =	vld.idx.msk [tilespmem:v9+s3+$0x0], $0xffff;
	[tilespmem:s7+$0x200] =	vst v10  }
0x36: {  	[tilespmem:s8+$0x0] =	vst v5;
	v7 =	vld.idx.msk [tilespmem:v7+s3+$0x0], $0xffff  }
0x37: {  	v15 =	vadd.s32 $0x2, v4;
	v10 =	vld.idx.msk [tilespmem:v16+s3+$0x0], $0xffff;
	[tilespmem:s5+$0x100] =	vst v8  }
0x38: {  	v16 =	vadd.s32 $0x4, v0;
	v8 =	vld.idx.msk [tilespmem:v11+s3+$0x0], $0xffff;
	[tilespmem:s4+$0x200] =	vst v14;
	v6 =	vmov v17  }
0x39: {  	v14 =	vld.idx.msk [tilespmem:v12+s3+$0x0], $0xffff  }
0x3a: {  	s9 =	sadd.s32 $0x20, s9;
	s12 =	sadd.s32 $0x2, s12;
	v17 =	vadd.s32 $0x2, v1;
	v5 =	vld.idx.msk [tilespmem:v3+s3+$0x0], $0xffff;
	[tilespmem:s6+$0x80] =	vst v13  }
0x3b: {  	s13 =	sand.u32 $0x60, s9;
	p0 =	slt.u32 s12, $0x3E;
	v19 =	vadd.s32 $0x4, v2;
	v11 =	vld.idx.msk [tilespmem:v18+s3+$0x0], $0xffff;
	[tilespmem:s18+$0x180] =	vst v9  }
.Ltmp0:
0x3c: {  	s10 =	sand.u32 $0x380, s9;
	s15 =	sor.u32 $0x10, s13;
	v12 =	vld.idx.msk [tilespmem:v15+s3+$0x0], $0xffff;
	[tilespmem:s7+$0x280] =	vst v7;
	(pc) =	sbr.rel @p0 .LBB2_1-.Ltmp0, $4  }
0x3d: {  	s11 =	sadd.s32 $0x100, s11;
	v13 =	vor.u32 $0x1, v18;
	s7 =	sor.u32 s15, s10;
	[tilespmem:s8+$0x80] =	vst v10;
	v10 =	vld.idx.msk [tilespmem:v16+s3+$0x0], $0xffff  }
0x3e: {  	v9 =	vadd.s32 $0x3, v4;
	s10 =	sand.u32 $0x1C00, s11;
	v15 =	vld [tilespmem:s7+$0x0];
	[tilespmem:s5+$0x180] =	vst v8;
	s7 =	smov.u32 s18  }
0x3f: {  	v7 =	vadd.s32 $0x5, v0;
	v0 =	vmov v4;
	v4 =	vmov v18;
	s10 =	sadd.s32 $0x580, s10;
	v8 =	vld.idx.msk [tilespmem:v17+s3+$0x0], $0xffff;
	[tilespmem:s4+$0x280] =	vst v14;
	s4 =	smov.u32 s5;
	s5 =	smov.u32 s8  }
0x40: {  	s14 =	sadd.s32 $0x20, s14;
	v16 =	vor.u32 $0x1, v3;
	s8 =	sor.u32 s17, s10;
	s10 =	sor.u32 s16, s10;
	v14 =	vld.idx.msk [tilespmem:v19+s3+$0x0], $0xffff  }
0x41: {  	_ = 	snop  }
0x42: {  	v6 =	vmul.u32 $0x6, v6  }
0x43: {  	v15 =	vmul.u32 $0x6, v15;
	_ =	sdelay $0x4  }
0x44: {  	v34 =	vld.idx.msk [tilespmem:v6+s3+$0x0], $0xffff  }
0x45: {  	[tilespmem:s10+$0x0] =	vst v11;
	s9 =	sadd.s32 $0x100, s11;
	v35 =	vor.u32 $0x1, v6;
	v17 =	vld.idx.msk [tilespmem:v15+s3+$0x0], $0xffff  }
0x46: {  	[tilespmem:s6+$0x100] =	vst v12;
	s9 =	sand.u32 $0x1C00, s9;
	v18 =	vor.u32 $0x1, v15  }
0x47: {  	[tilespmem:s8+$0x0] =	vst v5;
	s26 =	sadd.s32 $0x580, s9  }
0x48: {  	[tilespmem:s7+$0x200] =	vst v10;
	v36 =	vld.idx.msk [tilespmem:v13+s3+$0x0], $0xffff;
	s11 =	sor.u32 s13, s26  }
0x49: {  	v38 =	vadd.s32 $0x2, v4;
	v37 =	vld.idx.msk [tilespmem:v16+s3+$0x0], $0xffff;
	s9 =	sor.u32 s15, s26;
	[tilespmem:s11+$0x0] =	vst v34  }
0x4a: {  	v39 =	vadd.s32 $0x2, v3;
	v41 =	vld.idx.msk [tilespmem:v35+s3+$0x0], $0xffff;
	[tilespmem:s9+$0x0] =	vst v17  }
0x4b: {  	v43 =	vadd.s32 $0x2, v6;
	[tilespmem:s5+$0x100] =	vst v8;
	v40 =	vld.idx.msk [tilespmem:v18+s3+$0x0], $0xffff  }
0x4c: {  	v9 =	vld.idx.msk [tilespmem:v9+s3+$0x0], $0xffff;
	v42 =	vadd.s32 $0x2, v15;
	[tilespmem:s4+$0x200] =	vst v14  }
0x4d: {  	v44 =	vadd.s32 $0x3, v1;
	v7 =	vld.idx.msk [tilespmem:v7+s3+$0x0], $0xffff;
	[tilespmem:s10+$0x80] =	vst v36  }
0x4e: {  	v2 =	vadd.s32 $0x5, v2;
	[tilespmem:s8+$0x80] =	vst v37;
	v13 =	vld.idx.msk [tilespmem:v38+s3+$0x0], $0xffff  }
0x4f: {  	v45 =	vadd.s32 $0x3, v4;
	v11 =	vld.idx.msk [tilespmem:v39+s3+$0x0], $0xffff;
	[tilespmem:s11+$0x80] =	vst v41  }
0x50: {  	v46 =	vadd.s32 $0x3, v3;
	v48 =	vld.idx.msk [tilespmem:v43+s3+$0x0], $0xffff;
	[tilespmem:s9+$0x80] =	vst v40  }
0x51: {  	v49 =	vadd.s32 $0x3, v6;
	[tilespmem:s6+$0x180] =	vst v9;
	v12 =	vld.idx.msk [tilespmem:v42+s3+$0x0], $0xffff  }
0x52: {  	v47 =	vadd.s32 $0x3, v15;
	v5 =	vld.idx.msk [tilespmem:v44+s3+$0x0], $0xffff;
	[tilespmem:s7+$0x280] =	vst v7  }
0x53: {  	v50 =	vadd.s32 $0x4, v0;
	v2 =	vld.idx.msk [tilespmem:v2+s3+$0x0], $0xffff;
	[tilespmem:s10+$0x100] =	vst v13  }
0x54: {  	v51 =	vadd.s32 $0x4, v1;
	[tilespmem:s8+$0x100] =	vst v11;
	v10 =	vld.idx.msk [tilespmem:v45+s3+$0x0], $0xffff  }
0x55: {  	v52 =	vadd.s32 $0x4, v4;
	v11 =	vld.idx.msk [tilespmem:v46+s3+$0x0], $0xffff;
	[tilespmem:s11+$0x100] =	vst v48  }
0x56: {  	v53 =	vadd.s32 $0x4, v3;
	v54 =	vld.idx.msk [tilespmem:v49+s3+$0x0], $0xffff;
	[tilespmem:s9+$0x100] =	vst v12  }
0x57: {  	v57 =	vadd.s32 $0x4, v6;
	[tilespmem:s5+$0x180] =	vst v5;
	v8 =	vld.idx.msk [tilespmem:v47+s3+$0x0], $0xffff  }
0x58: {  	v55 =	vadd.s32 $0x4, v15;
	v56 =	vld.idx.msk [tilespmem:v50+s3+$0x0], $0xffff;
	[tilespmem:s4+$0x280] =	vst v2  }
0x59: {  	v58 =	vadd.s32 $0x5, v0;
	v13 =	vld.idx.msk [tilespmem:v51+s3+$0x0], $0xffff;
	[tilespmem:s10+$0x180] =	vst v10  }
0x5a: {  	v59 =	vadd.s32 $0x5, v1;
	[tilespmem:s8+$0x180] =	vst v11;
	v10 =	vld.idx.msk [tilespmem:v52+s3+$0x0], $0xffff  }
0x5b: {  	v60 =	vadd.s32 $0x5, v4;
	v11 =	vld.idx.msk [tilespmem:v53+s3+$0x0], $0xffff;
	[tilespmem:s11+$0x180] =	vst v54  }
0x5c: {  	v61 =	vadd.s32 $0x5, v3;
	v2 =	vld.idx.msk [tilespmem:v57+s3+$0x0], $0xffff;
	[tilespmem:s9+$0x180] =	vst v8  }
0x5d: {  	v6 =	vadd.s32 $0x5, v6;
	[tilespmem:s6+$0x200] =	vst v56;
	v7 =	vld.idx.msk [tilespmem:v55+s3+$0x0], $0xffff  }
0x5e: {  	v62 =	vadd.s32 $0x5, v15;
	v0 =	vld.idx.msk [tilespmem:v58+s3+$0x0], $0xffff;
	[tilespmem:s5+$0x200] =	vst v13  }
0x5f: {  	v1 =	vld.idx.msk [tilespmem:v59+s3+$0x0], $0xffff;
	[tilespmem:s10+$0x200] =	vst v10  }
0x60: {  	[tilespmem:s8+$0x200] =	vst v11;
	v4 =	vld.idx.msk [tilespmem:v60+s3+$0x0], $0xffff  }
0x61: {  	v3 =	vld.idx.msk [tilespmem:v61+s3+$0x0], $0xffff;
	[tilespmem:s11+$0x200] =	vst v2  }
0x62: {  	v63 =	vld.idx.msk [tilespmem:v6+s3+$0x0], $0xffff;
	[tilespmem:s9+$0x200] =	vst v7  }
0x63: {  	[tilespmem:s6+$0x280] =	vst v0;
	v5 =	vld.idx.msk [tilespmem:v62+s3+$0x0], $0xffff  }
0x64: {  	[tilespmem:s5+$0x280] =	vst v1  }
0x65: {  	[tilespmem:s10+$0x280] =	vst v4  }
0x66: {  	[tilespmem:s8+$0x280] =	vst v3  }
0x67: {  	s28 =	sshll.u32 s1, $0xA;
	s29 =	simm.s32 $0x0;
	[tilespmem:s11+$0x280] =	vst v63  }
0x68: {  	s30 =	simm.s32 $0x580;
	s31 =	simm.s32 $0x3;
	s2 =	sadd.s32 s2, s28;
	[tilespmem:s9+$0x280] =	vst v5  }
0x69: {  	[hbm4b:s2+s29] =	stream.linear.scatter [tilespmem:s30], [sflag:$0x3], $0x2000, $0x38;
	[tilespmem:$0x2580] =	vst v63  }
0x6a: {  	_ =	swait.ge [sflag:s31], $0x2000  }
0x6b: {  	[sflag:s31] =	ssyncset.done $0x0  }
0x6c: {  	[sflag:s31] =	ssyncadd.s32 $0xFFFFE000  }
0x6d: {  	_ =	sfence.sel $0x180000  }
0x6e: {  	[bflag:$0x0] =	sbarrier.arrive $0xFFFF  }
0x6f: {  	p0 =	sne.s32 s1, $0x0;
	_ =	strace $0x90000047  }
0x70: {  	s0 =	sadd.s32 @!p0 $0x100000, s0;
	[bflag:$0x2] =	sbarrier.arrive $0xFFFF  }
0x71: {  	[sflag:s0] =	ssyncadd.tile.s32 @!p0 $0x1;
	_ =	shalt  }
.Lfunc_end2:
_tile_overlayer_lowered:
.L_overlay_start_2:
0x72: {  	(tag) =	ssettag $0x2  }
0x73: {  	s0 =	rddreg [dreg:$0x0];
	s2 =	stileid.u32  }
0x74: {  	s1 =	rddreg [dreg:$0x1];
	p0 =	sne.s32 s2, $0x0  }
0x75: {  	s3 =	rddreg [dreg:$0x2];
	[bflag:$0x3] =	sbarrier.arrive $0xFFFF;
	s2 =	simm.s32 @!p0 $0x1C03  }
0x76: {  	[timem:s3], [sflag:s2] =	dma.local @!p0 [hbm:s0], s1  }
0x77: {  	s0 =	simm.s32 @!p0 $0x3  }
0x78: {  	_ =	swait.ge @!p0 [sflag:s0], s1  }
0x79: {  	s1 =	ssub.s32 @!p0 $0x0, s1;
	[sflag:s0] =	ssyncset.done @!p0 $0x0  }
0x7a: {  	[sflag:s0] =	ssyncadd.s32 @!p0 s1  }
0x7b: {  	[bflag:$0x3] =	sbarrier.arrive $0xFFFF  }
0x7c: {  	_ =	shalt  }

</sc_bundles>
